<compile_context>
chip_gen: v7x
topology: tpu7x:2x2x1
jax: 0.10.2.dev20260603
libtpu: 0.0.44.dev20260713+nightly
codegen_flags: <defaults>
</compile_context>

<pallas_src>
import jax
import jax.numpy as jnp
from jax.experimental import pallas as pl
from jax.experimental.pallas import tpu as pltpu

B = 4096
IN_DIM = 512
OUT_DIM = 8192
N_NEURON = 256
N_LEAF = 4
LEAF_DIM = 8

ROW_BLOCK = 256


def _gather_mm_kernel(x_ref, idx_ref, w_ref, out_ref, m_ref):
    @pl.when(pl.program_id(0) == 0)
    def _build_selection_matrix():
        row = jax.lax.broadcasted_iota(jnp.int32, (IN_DIM, OUT_DIM), 0)
        m_ref[...] = (row == idx_ref[0][None, :]).astype(jnp.bfloat16)

    x = x_ref[...]
    hi = x.astype(jnp.bfloat16)
    lo = (x - hi.astype(jnp.float32)).astype(jnp.bfloat16)
    m = m_ref[...]
    sel = (jnp.dot(hi, m, preferred_element_type=jnp.float32)
           + jnp.dot(lo, m, preferred_element_type=jnp.float32))
    out_ref[...] = sel * w_ref[0][None, :]


def kernel(x, idx, w):
    idx2 = idx.reshape(1, OUT_DIM)
    w2 = w.reshape(1, OUT_DIM)
    out = pl.pallas_call(
        _gather_mm_kernel,
        grid=(B // ROW_BLOCK,),
        in_specs=[
            pl.BlockSpec((ROW_BLOCK, IN_DIM), lambda i: (i, 0)),
            pl.BlockSpec((1, OUT_DIM), lambda i: (0, 0)),
            pl.BlockSpec((1, OUT_DIM), lambda i: (0, 0)),
        ],
        out_specs=pl.BlockSpec((ROW_BLOCK, OUT_DIM), lambda i: (i, 0)),
        out_shape=jax.ShapeDtypeStruct((B, OUT_DIM), x.dtype),
        scratch_shapes=[pltpu.VMEM((IN_DIM, OUT_DIM), jnp.bfloat16)],
    )(x, idx2, w2)
    return out.reshape(B, N_NEURON, N_LEAF, LEAF_DIM)

# --- scband reference (transcript-rebuilt; emitter-appended) ---
"""Pipeline reference for scband-sparse-distributor-to-leaf-10582799417823 (READ-ONLY COPY).

The authoritative reference and input builder live on the scoring server;
editing this copy changes nothing except your own understanding.
"""

import jax, jax.numpy as jnp
import numpy as np

B = 4096
IN_DIM = 512
N_NEURON = 256
N_LEAF = 4
LEAF_DIM = 8
OUT_DIM = N_NEURON * N_LEAF * LEAF_DIM  # 8192


def _make_idx_balanced(in_dim, out_dim, seed=0):
    rng = np.random.default_rng(seed)
    base = np.arange(in_dim, dtype=np.int32)
    rest = rng.integers(0, in_dim, size=(out_dim - in_dim,), dtype=np.int32)
    idx = np.concatenate([base, rest], axis=0)
    idx = rng.permutation(idx)
    return idx.astype(np.int32)


def setup_inputs(seed: int = 0) -> dict:
    key = jax.random.key(seed)
    k1, _ = jax.random.split(key)
    x = jax.random.normal(k1, (B, IN_DIM), dtype=jnp.float32)
    idx = jnp.asarray(_make_idx_balanced(IN_DIM, OUT_DIM), dtype=jnp.int32)
    w = jnp.ones((OUT_DIM,), dtype=jnp.float32)
    return {"x": x, "idx": idx, "w": w}


def reference(x, idx, w):
    # sel = x[:, idx]  -> column gather
    sel = jnp.take(x, idx, axis=1)
    y = sel * w
    y = y.reshape(x.shape[0], N_NEURON, N_LEAF, LEAF_DIM)
    return y

if __name__ == "__main__":
    import jax
    _d = setup_inputs()
    print(jax.jit(kernel)(*tuple(_d.values())))

</pallas_src>

<mosaic_0001>
module attributes {stable_mosaic.version = 14 : i64} {
  func.func @_gather_mm_kernel(%arg0: i32, %arg1: memref<256x512xf32, #tpu.memory_space<vmem>>, %arg2: memref<1x8192xi32, #tpu.memory_space<vmem>>, %arg3: memref<1x8192xf32, #tpu.memory_space<vmem>>, %arg4: memref<256x8192xf32, #tpu.memory_space<vmem>>, %arg5: memref<512x8192xbf16, #tpu.memory_space<vmem>>) attributes {dimension_semantics = [#tpu.dimension_semantics<arbitrary>], iteration_bounds = array<i64: 16>, scalar_prefetch = 0 : i64, scratch_operands = 1 : i64, tpu.core_type = #tpu.core_type<tc>, window_params = [{transform_indices = @transform_0, window_bounds = array<i64: 256, 512>}, {pipeline_mode = #tpu.pipeline_mode<synchronous>, transform_indices = @transform_1, window_bounds = array<i64: 1, 8192>}, {pipeline_mode = #tpu.pipeline_mode<synchronous>, transform_indices = @transform_2, window_bounds = array<i64: 1, 8192>}, {transform_indices = @transform_3, window_bounds = array<i64: 256, 8192>}]} {
    %eq3A = arith.constant 0 : i32
    %eq3A_0 = arith.cmpi eq, %arg0, %eq3A : i32
    %convert_element_type3A = arith.extui %eq3A_0 : i1 to i32
    %cond3A = arith.constant 0 : i32
    %cond3A_1 = arith.cmpi ne, %convert_element_type3A, %cond3A : i32
    scf.if %cond3A_1 {
      %iota3A = tpu.iota {dimensions = array<i32: 0>} : vector<512x8192xi32>
      %get3A_20 = arith.constant 0 : index
      %get3A_21 = arith.constant 0 : index
      %get3A_22 = vector.load %arg2[%get3A_20, %get3A_21] : memref<1x8192xi32, #tpu.memory_space<vmem>>, vector<1x8192xi32>
      %get3A_23 = vector.shape_cast %get3A_22 : vector<1x8192xi32> to vector<8192xi32>
      %broadcast_in_dim3A_24 = vector.shape_cast %get3A_23 : vector<8192xi32> to vector<1x8192xi32>
      %eq3A_25 = vector.broadcast %broadcast_in_dim3A_24 : vector<1x8192xi32> to vector<512x8192xi32>
      %eq3A_26 = arith.cmpi eq, %iota3A, %eq3A_25 : vector<512x8192xi32>
      %convert_element_type3A_27 = arith.extui %eq3A_26 : vector<512x8192xi1> to vector<512x8192xi32>
      %convert_element_type3A_28 = arith.sitofp %convert_element_type3A_27 : vector<512x8192xi32> to vector<512x8192xf32>
      %convert_element_type3A_29 = arith.truncf %convert_element_type3A_28 : vector<512x8192xf32> to vector<512x8192xbf16>
      %swap3A_30 = arith.constant 0 : index
      %swap3A_31 = arith.constant 0 : index
      %swap3A_32 = vector.load %arg5[%swap3A_30, %swap3A_31] : memref<512x8192xbf16, #tpu.memory_space<vmem>>, vector<512x8192xbf16>
      tpu.vector_store %arg5[%swap3A_30, %swap3A_31], %convert_element_type3A_29 {strides = array<i32>} : memref<512x8192xbf16, #tpu.memory_space<vmem>>, vector<512x8192xbf16>,
    } else {
    }
    %get3A = arith.constant 0 : index
    %get3A_2 = arith.constant 0 : index
    %get3A_3 = vector.load %arg1[%get3A, %get3A_2] : memref<256x512xf32, #tpu.memory_space<vmem>>, vector<256x512xf32>
    %convert_element_type3A_4 = arith.truncf %get3A_3 : vector<256x512xf32> to vector<256x512xbf16>
    %convert_element_type3A_5 = arith.extf %convert_element_type3A_4 : vector<256x512xbf16> to vector<256x512xf32>
    %sub3A = arith.subf %get3A_3, %convert_element_type3A_5 : vector<256x512xf32>
    %convert_element_type3A_6 = arith.truncf %sub3A : vector<256x512xf32> to vector<256x512xbf16>
    %get3A_7 = arith.constant 0 : index
    %get3A_8 = arith.constant 0 : index
    %get3A_9 = vector.load %arg5[%get3A_7, %get3A_8] : memref<512x8192xbf16, #tpu.memory_space<vmem>>, vector<512x8192xbf16>
    %dot_general3A = arith.constant dense<0.000000e+00> : vector<256x8192xf32>
    %dot_general3A_10 = tpu.matmul %convert_element_type3A_4, %get3A_9, %dot_general3A {dimension_numbers = #tpu.dot_dimension_numbers<[1], [0], [0], [1], [0, 0, 1, 1], [], []>, transpose_lhs_hint = false} : vector<256x512xbf16>, vector<512x8192xbf16>, vector<256x8192xf32> -> vector<256x8192xf32>
    %dot_general3A_11 = arith.constant dense<0.000000e+00> : vector<256x8192xf32>
    %dot_general3A_12 = tpu.matmul %convert_element_type3A_6, %get3A_9, %dot_general3A_11 {dimension_numbers = #tpu.dot_dimension_numbers<[1], [0], [0], [1], [0, 0, 1, 1], [], []>, transpose_lhs_hint = false} : vector<256x512xbf16>, vector<512x8192xbf16>, vector<256x8192xf32> -> vector<256x8192xf32>
    %add3A = arith.addf %dot_general3A_10, %dot_general3A_12 : vector<256x8192xf32>
    %get3A_13 = arith.constant 0 : index
    %get3A_14 = arith.constant 0 : index
    %get3A_15 = vector.load %arg3[%get3A_13, %get3A_14] : memref<1x8192xf32, #tpu.memory_space<vmem>>, vector<1x8192xf32>
    %get3A_16 = vector.shape_cast %get3A_15 : vector<1x8192xf32> to vector<8192xf32>
    %broadcast_in_dim3A = vector.shape_cast %get3A_16 : vector<8192xf32> to vector<1x8192xf32>
    %mul3A = vector.broadcast %broadcast_in_dim3A : vector<1x8192xf32> to vector<256x8192xf32>
    %mul3A_17 = arith.mulf %add3A, %mul3A : vector<256x8192xf32>
    %swap3A = arith.constant 0 : index
    %swap3A_18 = arith.constant 0 : index
    %swap3A_19 = vector.load %arg4[%swap3A, %swap3A_18] : memref<256x8192xf32, #tpu.memory_space<vmem>>, vector<256x8192xf32>
    tpu.vector_store %arg4[%swap3A, %swap3A_18], %mul3A_17 {strides = array<i32>} : memref<256x8192xf32, #tpu.memory_space<vmem>>, vector<256x8192xf32>,
    return
  }
  func.func @transform_0(%arg0: i32) -> (i32, i32) {
    %c0_i32 = arith.constant 0 : i32
    %c0_i32_0 = arith.constant 0 : i32
    return %arg0, %c0_i32 : i32, i32
  }
  func.func @transform_1(%arg0: i32) -> (i32, i32) {
    %c0_i32 = arith.constant 0 : i32
    %c0_i32_0 = arith.constant 0 : i32
    %c0_i32_1 = arith.constant 0 : i32
    return %c0_i32, %c0_i32_0 : i32, i32
  }
  func.func @transform_2(%arg0: i32) -> (i32, i32) {
    %c0_i32 = arith.constant 0 : i32
    %c0_i32_0 = arith.constant 0 : i32
    %c0_i32_1 = arith.constant 0 : i32
    return %c0_i32, %c0_i32_0 : i32, i32
  }
  func.func @transform_3(%arg0: i32) -> (i32, i32) {
    %c0_i32 = arith.constant 0 : i32
    %c0_i32_0 = arith.constant 0 : i32
    return %arg0, %c0_i32 : i32, i32
  }
}

</mosaic_0001>

<sc_bundles>
// kernel: sparse-core-data-format-call.cloned.1.call-start
scs
called_computation_lowered:
.L_overlay_start_0:
0x0: {  	s2 =	sld [smem:$0x3FD9]  }
0x1: {  	s3 =	sld [smem:$0x3FFE];
	_ =	sdelay $0x1  }
0x2: {  	s1 =	srdreg.scid  }
0x3: {  	s0 =	sand.u32 $0x1, s1  }
0x4: {  	s18 =	sshll.u32 s0, $0xA;
	s2 =	sadd.s32 s3, s2  }
0x5: {  	s2 =	sadd.s32 s2, s18  }
0x6: {  	[smem:$0x3FC5] =	sst s2  }
0x7: {  	_ = 	snop  }
0x8: {  	s2 =	sld [smem:$0x3FD0];
	(tm) =	ssettm $0x1  }
0x9: {  	s19 =	sld [smem:$0x3FFB];
	_ =	sdelay $0x3  }
0xa: {  	_ =	strace s19  }
0xb: {  	s3 =	sld [smem:$0x3FFC];
	_ =	sdelay $0x3  }
0xc: {  	_ =	strace s3  }
0xd: {  	s3 =	sld [smem:$0x3FFD];
	_ =	sdelay $0x3  }
0xe: {  	_ =	strace s3  }
0xf: {  	_ =	strace $0x8FFFFFFF  }
0x10: {  	s20 =	sld [smem:$0x3FDB];
	_ =	sdelay $0x1  }
0x11: {  	s4 =	simm.s32 $_scs_section_size  }
0x12: {  	s5 =	simm.s32 $_size__tile_overlayer_lowered;
	s6 =	simm.s32 $_tile_overlayer_lowered  }
0x13: {  	s23 =	simm.s32 $0x1BFF;
	s22 =	sshll.u32 s6, $0x1;
	s3 =	sadd.s32 s4, s20  }
0x14: {  	s7 =	simm.s32 $0x0;
	s21 =	sshll.u32 s5, $0x1;
	s5 =	sadd.s32 s22, s3  }
0x15: {  	[timem:s7], [sflag:s23] =	dma.local [hbm:s5], s21  }
0x16: {  	_ =	swait.ge [sflag:s23], s21  }
0x17: {  	s4 =	ssub.s32 $0x0, s21;
	[sflag:s23] =	ssyncset.done $0x0  }
0x18: {  	[sflag:s23] =	ssyncadd.s32 s4;
	_ =	sdelay $0x1  }
0x19: {  	s24 =	simm.s32 $0x1B8B  }
0x1a: {  	_ =	swait.ge [sflag:s24], $0x1  }
0x1b: {  	[sflag:s24] =	ssyncset.done $0x0  }
0x1c: {  	s26 =	simm.s32 $0x1B8E;
	s25 =	sld [smem:$0x3FFE];
	[sflag:s24] =	ssyncadd.s32 $0xFFFFFFFF  }
0x1d: {  	s27 =	simm.s32 $execute0_lowered;
	[smem:$0x3FD2] =	sst s26  }
0x1e: {  	s5 =	sshll.u32 s27, $0x1;
	_ =	strace $0x80000046;
	[dreg:$0x1] =	wrdreg $0xFFFFFFFF  }
0x1f: {  	s28 =	simm.s32 $_size_execute0_lowered;
	s3 =	sadd.s32 s3, s5;
	[dreg:$0x0] =	wrdreg $0x0  }
0x20: {  	s5 =	sshll.u32 s28, $0x1;
	[dreg:$0x2] =	wrdreg s3  }
0x21: {  	[dreg:$0x3] =	wrdreg s5  }
0x22: {  	[dreg:$0x4] =	wrdreg $0xC0  }
0x23: {  	_ =	task [dreg:s7], $0x5FFFF  }
0x24: {  	[dreg:$0x1] =	wrdreg $0xFFFFFFFF  }
0x25: {  	[dreg:$0x0] =	wrdreg $0x60  }
0x26: {  	[dreg:$0x2] =	wrdreg s25  }
0x27: {  	[dreg:$0x3] =	wrdreg s2  }
0x28: {  	[dreg:$0x4] =	wrdreg $0x9  }
0x29: {  	_ =	task.clear_ibuf [dreg:s7], $0x5FFFF;
	_ =	strace $0x90000046  }
0x2a: {  	s29 =	simm.s32 $0x9;
	_ =	strace $0x80000048  }
0x2b: {  	_ =	swait.ge [sflag:s29], $0x1  }
0x2c: {  	[sflag:s29] =	ssyncadd.s32 $0xFFFFFFFF  }
0x2d: {  	_ =	strace $0x90000048  }
0x2e: {  	_ =	sfence  }
0x2f: {  	s30 =	sld [smem:$0x0];
	_ =	sdelay $0x2  }
0x30: {  	s31 =	sshll.u32 s1, $0xD;
	s1 =	sshrl.u32 s1, $0x2  }
0x31: {  	s3 =	sand.u32 $0x4000, s31;
	s1 =	sadd.s32 s1, s30  }
0x32: {  	s0 =	sor.u32 s3, s0;
	s1 =	sshll.u32 s1, $0x11  }
0x33: {  	s0 =	sor.u32 s1, s0  }
0x34: {  	s0 =	sadd.s32 $0x8F2B, s0  }
0x35: {  	[sflag:s0] =	ssyncadd.remote.s32 $0x1  }
0x36: {  	_ =	sfence.sel $0xFFFF  }
0x37: {  	[dreg:$0x0] =	wrdreg $0xFFFFFFFF;
	(pc) =	sbr.abs _section_cstart, $3  }
0x38: {  	[dreg:$0x1] =	wrdreg $0xFFFFFFFF  }
0x39: {  	_ =	task.clear_ibuf [dreg:s7], $0x2FFFF;
	_ =	strace $0x9FFFFFFF  }
0x3a: {  	(tm) =	ssettm $0x7FFFFFFF  }
0x3b: {  	_ =	shalt  }
tec
execute0_lowered:
.L_overlay_start_1:
0x0: {  	(tag) =	ssettag $0x1  }
0x1: {  	s3 =	rddreg [dreg:$0x0]  }
0x2: {  	s2 =	rddreg [dreg:$0x1]  }
0x3: {  	s0 =	rddreg [dreg:$0x2];
	s1 =	stileid.u32;
	_ =	strace $0x80000047  }
0x4: {  	s4 =	srdreg.scid;
	s10 =	simm.s32 $0x2;
	s16 =	simm.s32 $0x0  }
0x5: {  	p0 =	por $0x0, $0x0;
	s19 =	simm.s32 $0x0;
	s18 =	simm.s32 $0x0  }
0x6: {  	s17 =	simm.s32 $0x0;
	s11 =	simm.s32 $0x0;
	s15 =	simm.s32 $0x0  }
0x7: {  	s5 =	sshll.u32 s1, $0x7;
	s3 =	sadd.s32 $0xA00, s3;
	s6 =	sshll.u32 s4, $0x4  }
0x8: {  	s31 =	sshrl.u32 s1, $0x1;
	s4 =	sand.u32 $0x80, s5;
	s30 =	sand.u32 $0x10, s6  }
0x9: {  	s5 =	sand.u32 $0x3, s31;
	s6 =	simm.s32 $0x1;
	s7 =	ssub.s32 $0x100, s4  }
.Ltmp0:
0xa: {  	s8 =	sor.u32 s1, s30;
	s9 =	sshrl.u32 s7, $0x7;
	(pc) =	sbr.rel .LBB1_1-.Ltmp0, $4  }
0xb: {  	[sflag:s6] =	ssyncpa.u1 $0x0;
	s7 =	sshrl.u32 s7, $0x8;
	s9 =	sand.u32 $0x1, s9  }
0xc: {  	s13 =	smov.u32 s5;
	s14 =	smov.u32 s4;
	s9 =	sadd.s32 s7, s9  }
0xd: {  	[sflag:s10] =	ssyncpa.u1 $0x0;
	s7 =	sshrl.u32 s8, $0x3;
	s8 =	sshll.u32 s9, $0x6  }
0xe: {  	s10 =	simm.s32 $0x2000;
	s12 =	smov.u32 s7;
	s9 =	sor.u32 $0x1, s8  }
.LBB1_4:
0xf: {  	v5 =	vld [tilespmem:s23+$0xFFFFFFD0];
	[tilespmem:s22+$0x2040 ss:$0x81] =	vst.msk $0xffff, v1  }
0x10: {  	v58 =	vld [tilespmem:s23+$0xFFFFFFE0];
	[tilespmem:s22+$0x2850 ss:$0x81] =	vst.msk $0xffff, v2  }
0x11: {  	s24 =	sshra.s32 s24, $0x2;
	v59 =	vld [tilespmem:s23+$0xFFFFFFF0];
	[tilespmem:s22+$0x3060 ss:$0x81] =	vst.msk $0xffff, v3  }
0x12: {  	v60 =	vld [tilespmem:s23+$0x0];
	[tilespmem:s22+$0x0 ss:$0x81] =	vst.msk $0xffff, v0;
	s21 =	sadd.s32 s24, s21  }
0x13: {  	v61 =	vld [tilespmem:s23+$0x10];
	[tilespmem:s21+$0x3870 ss:$0x81] =	vst.msk $0xffff, v4  }
0x14: {  	v62 =	vld [tilespmem:s23+$0x20];
	[tilespmem:s21+$0x810 ss:$0x81] =	vst.msk $0xffff, v5  }
0x15: {  	v63 =	vld [tilespmem:s23+$0xFFFFFFC0];
	s29 =	sand.u32 $0x78, s17;
	s30 =	sshll.u32 s17, $0x3;
	[tilespmem:s21+$0x1020 ss:$0x81] =	vst.msk $0xffff, v58  }
0x16: {  	s19 =	sshll.u32 s19, $0x7;
	s16 =	sshll.u32 s16, $0xA;
	s23 =	sand.u32 $0x400, s30;
	[tilespmem:s21+$0x1830 ss:$0x81] =	vst.msk $0xffff, v59  }
0x17: {  	s18 =	sshll.u32 s18, $0x8;
	s19 =	sand.u32 $0x380, s19;
	s22 =	sor.u32 s29, s23;
	[tilespmem:s21+$0x2040 ss:$0x81] =	vst.msk $0xffff, v60  }
0x18: {  	s31 =	sand.u32 $0x7, s17;
	s18 =	sadd.s32 s2, s18;
	s19 =	sor.u32 s19, s22;
	[tilespmem:s21+$0x2850 ss:$0x81] =	vst.msk $0xffff, v61  }
0x19: {  	s17 =	sshll.u32 s31, $0x12;
	s16 =	sadd.s32 s16, s18;
	s19 =	sshrl.u32 s19, $0x3;
	[tilespmem:s21+$0x3060 ss:$0x81] =	vst.msk $0xffff, v62  }
0x1a: {  	s17 =	sor.u32 $0x80, s17;
	[tilespmem:s21+$0x0 ss:$0x81] =	vst.msk $0xffff, v63;
	s16 =	sadd.s32 s19, s16  }
0x1b: {  	[hbm4b:s16+s17] =	stream.strided.scatter [tilespmem:s20], [sflag:$0x2], $0x4000, s10, s17, $0x20;
	[tilespmem:$0x10100] =	vst v63  }
.LBB1_5:
0x1c: {  	s20 =	sadd.s32 $0x80, s11  }
0x1d: {  	s16 =	sadd.s32 $0x4, s12;
	s21 =	smov.u32 s12;
	p2 =	sgt.s32 s20, $0xFFF  }
0x1e: {  	s21 =	smov.u32 @p2 s16  }
0x1f: {  	s22 =	smov.u32 s13;
	s16 =	sadd.s32 $0x4, s13;
	p3 =	sgt.s32 s21, $0x7  }
0x20: {  	s22 =	smov.u32 @p3 s16  }
0x21: {  	s23 =	smov.u32 s14;
	s16 =	sadd.s32 $0x100, s14;
	p4 =	sgt.s32 s22, $0x3  }
0x22: {  	p1 =	slt.u32 s15, $0x2;
	s23 =	smov.u32 @p4 s16  }
0x23: {  	s19 =	smov.u32 s12;
	s20 =	simm.s32 @p2 $0x0;
	p2 =	sgt.s32 s23, $0xFF  }
0x24: {  	s24 =	simm.s32 @!p1 $0x2;
	s23 =	smov.u32 @p2 s4;
	p2 =	sne.s32 s15, s9  }
.Ltmp1:
0x25: {  	s18 =	smov.u32 s13;
	_ =	swait.ge @!p1 [sflag:s24], $0x4000;
	(pc) =	sbr.rel @!p2 .LBB1_6-.Ltmp1, $4  }
0x26: {  	s17 =	smov.u32 s14;
	[sflag:s24] =	ssyncset.done @!p1 $0x0;
	s21 =	smov.u32 @p3 s7  }
0x27: {  	p0 =	por !p0, !p0;
	[sflag:s24] =	ssyncadd.s32 @!p1 $0xFFFFC000;
	s12 =	smov.u32 s21  }
0x28: {  	s22 =	smov.u32 @p4 s5;
	s16 =	smov.u32 s11;
	s11 =	smov.u32 s20  }
0x29: {  	s13 =	smov.u32 s22;
	s15 =	sadd.s32 $0x1, s15;
	s14 =	smov.u32 s23  }
.LBB1_1:
0x2a: {  	p1 =	sge.u32 s15, s8  }
0x2b: {  	s31 =	sadd.s32 $0xFFFFFFFF, s15;
	s20 =	sxor.u32 @!p1 $0xFFFFFFFF, s15  }
0x2c: {  	s21 =	sshll.u32 @!p1 s12, $0x7;
	s22 =	sand.u32 @!p1 $0x78, s11;
	s23 =	sshll.u32 @!p1 s11, $0x3  }
0x2d: {  	s24 =	sand.u32 @!p1 $0xE00, s11;
	s20 =	sshll.u32 @!p1 s20, $0xE;
	s21 =	sand.u32 @!p1 $0x380, s21  }
0x2e: {  	s23 =	sand.u32 @!p1 $0xC00, s23;
	s21 =	sor.u32 @!p1 s21, s22;
	s22 =	sshll.u32 @!p1 s14, $0xE  }
0x2f: {  	s21 =	sor.u32 @!p1 s23, s21;
	s23 =	sshll.u32 @!p1 s13, $0xC;
	s22 =	sadd.s32 @!p1 s3, s22  }
0x30: {  	s20 =	sand.u32 @!p1 $0x4000, s20;
	s22 =	sadd.s32 @!p1 s23, s22;
	s23 =	sand.u32 @!p1 $0x7, s11  }
0x31: {  	s21 =	sshrl.u32 @!p1 s21, $0x3;
	s22 =	sadd.s32 @!p1 s24, s22;
	s23 =	sshll.u32 @!p1 s23, $0x12  }
0x32: {  	s21 =	sadd.s32 @!p1 s21, s22;
	s22 =	sor.u32 @!p1 $0x80, s23;
	s23 =	simm.s32 @!p1 $0x20000  }
0x33: {  	[tilespmem:s20], [sflag:$0x1] =	stream.strided.gather @!p1 [hbm4b:s21+s22], $0x4000, s23, s22, $0x38;
	[tilespmem:$0x10100] =	vst v63  }
0x34: {  	p1 =	sge.u32 s31, s8  }
.Ltmp2:
0x35: {  	_ = 	snop;
	(pc) =	sbr.rel @p1 .LBB1_5-.Ltmp2, $1  }
0x36: {  	_ =	sdelay $0x3  }
0x37: {  	s20 =	simm.s32 $0x1  }
0x38: {  	_ =	swait.ge [sflag:s6], $0x4000;
	s20 =	simm.s32 @!p0 $0x0  }
0x39: {  	[sflag:s6] =	ssyncset.done $0x0;
	s21 =	sshll.u32 s20, $0xE  }
0x3a: {  	[sflag:s6] =	ssyncadd.s32 $0xFFFFC000;
	s23 =	sor.u32 $0x40, s21  }
0x3b: {  	s20 =	smul.u32 $0x10200, s20;
	v0 =	vld [tilespmem:s23+$0x30]  }
0x3c: {  	v3 =	vld [tilespmem:s23+$0xFFFFFFD0]  }
0x3d: {  	s20 =	sshrl.u32 s20, $0x2;
	v4 =	vld [tilespmem:s23+$0xFFFFFFE0]  }
0x3e: {  	v5 =	vld [tilespmem:s23+$0xFFFFFFF0];
	s21 =	sor.u32 $0x8000, s20  }
0x3f: {  	s31 =	sand.u32 $0x1, s15;
	v1 =	vld [tilespmem:s23+$0x0];
	s22 =	sadd.s32 $0x0, s21  }
0x40: {  	v2 =	vld [tilespmem:s23+$0x10];
	s20 =	smul.u32 $0x10200, s31;
	[tilespmem:s22+$0x3870 ss:$0x81] =	vst.msk $0xffff, v0  }
0x41: {  	[tilespmem:s22+$0x810 ss:$0x81] =	vst.msk $0xffff, v3;
	v3 =	vld [tilespmem:s23+$0x20]  }
0x42: {  	s20 =	sshrl.u32 s20, $0x2;
	v0 =	vld [tilespmem:s23+$0xFFFFFFC0];
	[tilespmem:s22+$0x1020 ss:$0x81] =	vst.msk $0xffff, v4;
	s23 =	sadd.s32 $0x80, s23  }
0x43: {  	s24 =	simm.s32 $0x4;
	s25 =	simm.s32 $0x8;
	s20 =	sor.u32 $0x8000, s20;
	[tilespmem:s22+$0x1830 ss:$0x81] =	vst.msk $0xffff, v5;
	v4 =	vld [tilespmem:s23+$0x30]  }
.LBB1_3:
0x44: {  	p1 =	sne.s32 s25, $0x1FC;
	v5 =	vld [tilespmem:s23+$0xFFFFFFD0];
	[tilespmem:s22+$0x2040 ss:$0x81] =	vst.msk $0xffff, v1  }
0x45: {  	v6 =	vld [tilespmem:s23+$0xFFFFFFE0];
	[tilespmem:s22+$0x2850 ss:$0x81] =	vst.msk $0xffff, v2  }
0x46: {  	s26 =	sshra.s32 s24, $0x2;
	s24 =	smov.u32 s25;
	v7 =	vld [tilespmem:s23+$0xFFFFFFF0];
	[tilespmem:s22+$0x3060 ss:$0x81] =	vst.msk $0xffff, v3  }
.Ltmp3:
0x47: {  	v1 =	vld [tilespmem:s23+$0x0];
	[tilespmem:s22+$0x0 ss:$0x81] =	vst.msk $0xffff, v0;
	s22 =	sadd.s32 s26, s21;
	(pc) =	sbr.rel @p1 .LBB1_3-.Ltmp3, $4  }
0x48: {  	v2 =	vld [tilespmem:s23+$0x10];
	[tilespmem:s22+$0x3870 ss:$0x81] =	vst.msk $0xffff, v4  }
0x49: {  	[tilespmem:s22+$0x810 ss:$0x81] =	vst.msk $0xffff, v5;
	v3 =	vld [tilespmem:s23+$0x20]  }
0x4a: {  	v0 =	vld [tilespmem:s23+$0xFFFFFFC0];
	[tilespmem:s22+$0x1020 ss:$0x81] =	vst.msk $0xffff, v6;
	s23 =	sadd.s32 $0x80, s23  }
0x4b: {  	s25 =	sadd.s32 $0x4, s25;
	v4 =	vld [tilespmem:s23+$0x30];
	[tilespmem:s22+$0x1830 ss:$0x81] =	vst.msk $0xffff, v7  }
.Ltmp4:
0x4c: {  	_ = 	snop;
	(pc) =	sbr.rel .LBB1_4-.Ltmp4, $1  }
0x4d: {  	_ =	sdelay $0x3  }
.LBB1_6:
0x4e: {  	_ =	sfence.sel $0x180000  }
0x4f: {  	s2 =	simm.s32 $0x1;
	[bflag:$0x0] =	sbarrier.arrive $0xFFFF  }
0x50: {  	s31 =	simm.s32 $0x2;
	[sflag:s2] =	ssyncpa.u1 $0x1  }
0x51: {  	[sflag:s31] =	ssyncpa.u1 $0x1  }
0x52: {  	p0 =	sne.s32 s1, $0x0;
	_ =	strace $0x90000047  }
0x53: {  	s0 =	sadd.s32 @!p0 $0x100000, s0;
	[bflag:$0x2] =	sbarrier.arrive $0xFFFF  }
0x54: {  	[sflag:s0] =	ssyncadd.tile.s32 @!p0 $0x1;
	_ =	shalt  }
.Lfunc_end1:
_tile_overlayer_lowered:
.L_overlay_start_2:
0x55: {  	(tag) =	ssettag $0x2  }
0x56: {  	s0 =	rddreg [dreg:$0x0];
	s2 =	stileid.u32  }
0x57: {  	s1 =	rddreg [dreg:$0x1];
	p0 =	sne.s32 s2, $0x0  }
0x58: {  	s3 =	rddreg [dreg:$0x2];
	[bflag:$0x3] =	sbarrier.arrive $0xFFFF;
	s2 =	simm.s32 @!p0 $0x1C01  }
0x59: {  	[timem:s3], [sflag:s2] =	dma.local @!p0 [hbm:s0], s1  }
0x5a: {  	s0 =	simm.s32 @!p0 $0x1  }
0x5b: {  	_ =	swait.ge @!p0 [sflag:s0], s1  }
0x5c: {  	s1 =	ssub.s32 @!p0 $0x0, s1;
	[sflag:s0] =	ssyncset.done @!p0 $0x0  }
0x5d: {  	[sflag:s0] =	ssyncadd.s32 @!p0 s1  }
0x5e: {  	[bflag:$0x3] =	sbarrier.arrive $0xFFFF  }
0x5f: {  	_ =	shalt  }

</sc_bundles>
